<compile_context>
chip_gen: v7x
topology: tpu7x:2x2x1
jax: 0.10.2.dev20260603
libtpu: 0.0.44.dev20260713+nightly
codegen_flags: <defaults>
</compile_context>

<pallas_src>
import functools

import jax
import jax.numpy as jnp
from jax import lax
from jax.experimental import pallas as pl
from jax.experimental.pallas import tpu as pltpu
from jax.experimental.pallas import tpu_sc as plsc

N_ROWS = 1000000
N_COLS = 64
N_IDX = 16384
NC, NS = 2, 16
COLS_PER_SC = N_COLS // NC
PER_T = N_IDX // NS

_mesh = plsc.VectorSubcoreMesh(core_axis_name="c", subcore_axis_name="s")


@functools.partial(
    pl.kernel,
    out_type=jax.ShapeDtypeStruct((N_COLS, N_IDX), jnp.float32),
    mesh=_mesh,
    scratch_types=[
        pltpu.VMEM_SHARED((N_ROWS,), jnp.float32),
        pltpu.VMEM_SHARED((N_ROWS,), jnp.float32),
        pltpu.VMEM((PER_T,), jnp.int32),
        pltpu.VMEM((PER_T,), jnp.float32),
        pltpu.SemaphoreType.DMA,
        pltpu.SemaphoreType.DMA,
    ],
)
def _gather(xt_hbm, idxt_hbm, outt_hbm, row0, row1, idxv, datav, ssem, gsem):
    cid = lax.axis_index("c")
    sid = lax.axis_index("s")
    j0 = cid * COLS_PER_SC

    def stage(j, buf):
        pltpu.async_copy(xt_hbm.at[j], buf, ssem)

    def serve(j, buf):
        pltpu.sync_copy(idxt_hbm.at[j, pl.ds(sid * PER_T, PER_T)], idxv)
        pltpu.async_copy(buf.at[idxv], datav, gsem).wait()
        pltpu.sync_copy(datav, outt_hbm.at[j, pl.ds(sid * PER_T, PER_T)])

    def wait_stage(buf):
        pltpu.make_async_copy(xt_hbm.at[0], buf, ssem).wait()

    @pl.when(sid == 0)
    def _prologue():
        stage(j0, row0)

    def pair_body(i, carry):
        j = j0 + 2 * i

        @pl.when(sid == 0)
        def _w0():
            wait_stage(row0)

        plsc.subcore_barrier()

        @pl.when(sid == 0)
        def _s1():
            stage(j + 1, row1)

        serve(j, row0)
        plsc.subcore_barrier()

        @pl.when(sid == 0)
        def _w1():
            wait_stage(row1)

        plsc.subcore_barrier()

        @pl.when(jnp.logical_and(sid == 0, i < COLS_PER_SC // 2 - 1))
        def _s0():
            stage(j + 2, row0)

        serve(j + 1, row1)
        plsc.subcore_barrier()
        return carry

    lax.fori_loop(0, COLS_PER_SC // 2, pair_body, 0)


def kernel(x, idx):
    return _gather(x.T, idx.T).T

# --- scband reference (transcript-rebuilt; emitter-appended) ---
"""Pipeline reference for scband-gather-module-64604898066677 (READ-ONLY COPY).

The authoritative reference and input builder live on the scoring server;
editing this copy changes nothing except your own understanding.
"""

import jax, jax.numpy as jnp
import numpy as np


def setup_inputs(seed: int = 0) -> dict:
    key = jax.random.key(seed)
    k1, k2 = jax.random.split(key)
    x = jax.random.normal(k1, (1000000, 64), dtype=jnp.float32)
    idx = jax.random.randint(k2, (16384, 64), 0, 1000000, dtype=jnp.int64 if jax.config.jax_enable_x64 else jnp.int32)
    return {"x": x, "idx": idx}


def reference(x, idx):
    # torch.gather(x, dim=0, idx): out[i, j] = x[idx[i, j], j]
    return jnp.take_along_axis(x, idx, axis=0)

if __name__ == "__main__":
    import jax
    _d = setup_inputs()
    print(jax.jit(kernel)(*tuple(_d.values())))

</pallas_src>

<mosaic_0001>
#map = affine_map<(d0, d1) -> (0, 0)>
module attributes {stable_mosaic.version = 14 : i64} {
  func.func @_gather(%arg0: i32, %arg1: i32, %arg2: memref<64x1000000xf32, #tpu.memory_space<hbm>>, %arg3: memref<64x16384xi32, #tpu.memory_space<hbm>>, %arg4: memref<64x16384xf32, #tpu.memory_space<hbm>>, %arg5: memref<1000000xf32, #tpu.memory_space<vmem_shared>>, %arg6: memref<1000000xf32, #tpu.memory_space<vmem_shared>>, %arg7: memref<1024xi32, #tpu.memory_space<vmem>>, %arg8: memref<1024xf32, #tpu.memory_space<vmem>>, %arg9: memref<!tpu.dma_semaphore, #tpu.memory_space<semaphore_mem>>, %arg10: memref<!tpu.dma_semaphore, #tpu.memory_space<semaphore_mem>>) attributes {dimension_semantics = [#tpu.dimension_semantics<core_parallel>, #tpu.dimension_semantics<subcore_parallel>], iteration_bounds = array<i64: 2, 16>, scalar_prefetch = 0 : i64, scratch_operands = 6 : i64, tpu.core_type = #tpu.core_type<sc_vector_subcore>, window_params = [{transform_indices = #map}, {transform_indices = #map}, {transform_indices = #map}]} {
    %mul3A = arith.constant 32 : i32
    %mul3A_0 = arith.muli %arg0, %mul3A : i32
    %eq3A = arith.constant 0 : i32
    %eq3A_1 = arith.cmpi eq, %arg1, %eq3A : i32
    %convert_element_type3A = arith.extui %eq3A_1 : i1 to i32
    %cond3A = arith.constant 0 : i32
    %cond3A_2 = arith.cmpi ne, %convert_element_type3A, %cond3A : i32
    scf.if %cond3A_2 {
      %dma_start3A = arith.constant 0 : i32
      %dma_start3A_8 = tpu.memref_slice %arg2[%mul3A_0, %dma_start3A] : memref<64x1000000xf32, #tpu.memory_space<hbm>> -> memref<1x1000000xf32, #tpu.memory_space<hbm>>
      %dma_start3A_9 = tpu.memref_squeeze %dma_start3A_8 : memref<1x1000000xf32, #tpu.memory_space<hbm>> -> memref<1000000xf32, #tpu.memory_space<hbm>>
      tpu.enqueue_dma source(%dma_start3A_9 : memref<1000000xf32, #tpu.memory_space<hbm>>) target(%arg5 : memref<1000000xf32, #tpu.memory_space<vmem_shared>>) target_semaphore(%arg9 : memref<!tpu.dma_semaphore, #tpu.memory_space<semaphore_mem>>)
    } else {
    }
    %scan3A = arith.constant 0 : i32
    %scan3A_3 = arith.constant 0 : i32
    %scan3A_4 = arith.constant 16 : i32
    %scan3A_5 = arith.addi %scan3A_3, %scan3A_4 : i32
    %scan3A_6 = arith.constant 1 : i32
    scf.for %scan3A_8 = %scan3A_3 to %scan3A_5 step %scan3A_6  : i32 {
      %mul3A_9 = arith.constant 2 : i32
      %mul3A_10 = arith.muli %mul3A_9, %scan3A_8 : i32
      %add3A = arith.addi %mul3A_0, %mul3A_10 : i32
      %eq3A_11 = arith.constant 0 : i32
      %eq3A_12 = arith.cmpi eq, %arg1, %eq3A_11 : i32
      %convert_element_type3A_13 = arith.extui %eq3A_12 : i1 to i32
      %cond3A_14 = arith.constant 0 : i32
      %cond3A_15 = arith.cmpi ne, %convert_element_type3A_13, %cond3A_14 : i32
      scf.if %cond3A_15 {
        %dma_wait3A_51 = arith.constant 0 : i32
        %dma_wait3A_52 = arith.constant 0 : i32
        %dma_wait3A_53 = tpu.memref_slice %arg2[%dma_wait3A_51, %dma_wait3A_52] : memref<64x1000000xf32, #tpu.memory_space<hbm>> -> memref<1x1000000xf32, #tpu.memory_space<hbm>>
        %dma_wait3A_54 = tpu.memref_squeeze %dma_wait3A_53 : memref<1x1000000xf32, #tpu.memory_space<hbm>> -> memref<1000000xf32, #tpu.memory_space<hbm>>
        tpu.wait_dma2 semaphore(%arg9 : memref<!tpu.dma_semaphore, #tpu.memory_space<semaphore_mem>>) src(%dma_wait3A_54 : memref<1000000xf32, #tpu.memory_space<hbm>>) dst(%arg5 : memref<1000000xf32, #tpu.memory_space<vmem_shared>>)
      } else {
      }
      %barrier3A = arith.constant 0 : index
      tpu.barrier barrier_id(%barrier3A)
      %eq3A_16 = arith.constant 0 : i32
      %eq3A_17 = arith.cmpi eq, %arg1, %eq3A_16 : i32
      %convert_element_type3A_18 = arith.extui %eq3A_17 : i1 to i32
      %cond3A_19 = arith.constant 0 : i32
      %cond3A_20 = arith.cmpi ne, %convert_element_type3A_18, %cond3A_19 : i32
      scf.if %cond3A_20 {
        %add3A_51 = arith.constant 1 : i32
        %add3A_52 = arith.addi %add3A, %add3A_51 : i32
        %dma_start3A_53 = arith.constant 0 : i32
        %dma_start3A_54 = tpu.memref_slice %arg2[%add3A_52, %dma_start3A_53] : memref<64x1000000xf32, #tpu.memory_space<hbm>> -> memref<1x1000000xf32, #tpu.memory_space<hbm>>
        %dma_start3A_55 = tpu.memref_squeeze %dma_start3A_54 : memref<1x1000000xf32, #tpu.memory_space<hbm>> -> memref<1000000xf32, #tpu.memory_space<hbm>>
        tpu.enqueue_dma source(%dma_start3A_55 : memref<1000000xf32, #tpu.memory_space<hbm>>) target(%arg6 : memref<1000000xf32, #tpu.memory_space<vmem_shared>>) target_semaphore(%arg9 : memref<!tpu.dma_semaphore, #tpu.memory_space<semaphore_mem>>)
      } else {
      }
      %mul3A_21 = arith.constant 1024 : i32
      %mul3A_22 = arith.muli %arg1, %mul3A_21 : i32
      "tpu.region"() ({
        %run_scoped3A = tpu.sem_alloc : memref<!tpu.dma_semaphore, #tpu.memory_space<semaphore_mem>>
        %dma_start3A_51 = tpu.memref_slice %arg3[%add3A, %mul3A_22] : memref<64x16384xi32, #tpu.memory_space<hbm>> -> memref<1x1024xi32, #tpu.memory_space<hbm>>
        %dma_start3A_52 = tpu.memref_squeeze %dma_start3A_51 : memref<1x1024xi32, #tpu.memory_space<hbm>> -> memref<1024xi32, #tpu.memory_space<hbm>>
        %dma_start3A_53 = tpu.memref_slice %arg3[%add3A, %mul3A_22] : memref<64x16384xi32, #tpu.memory_space<hbm>> -> memref<1x1024xi32, #tpu.memory_space<hbm>>
        %dma_start3A_54 = tpu.memref_squeeze %dma_start3A_53 : memref<1x1024xi32, #tpu.memory_space<hbm>> -> memref<1024xi32, #tpu.memory_space<hbm>>
        tpu.enqueue_dma source(%dma_start3A_54 : memref<1024xi32, #tpu.memory_space<hbm>>) target(%arg7 : memref<1024xi32, #tpu.memory_space<vmem>>) target_semaphore(%run_scoped3A : memref<!tpu.dma_semaphore, #tpu.memory_space<semaphore_mem>>)
        %dma_wait3A_55 = tpu.memref_slice %arg3[%add3A, %mul3A_22] : memref<64x16384xi32, #tpu.memory_space<hbm>> -> memref<1x1024xi32, #tpu.memory_space<hbm>>
        %dma_wait3A_56 = tpu.memref_squeeze %dma_wait3A_55 : memref<1x1024xi32, #tpu.memory_space<hbm>> -> memref<1024xi32, #tpu.memory_space<hbm>>
        %dma_wait3A_57 = tpu.memref_slice %arg3[%add3A, %mul3A_22] : memref<64x16384xi32, #tpu.memory_space<hbm>> -> memref<1x1024xi32, #tpu.memory_space<hbm>>
        %dma_wait3A_58 = tpu.memref_squeeze %dma_wait3A_57 : memref<1x1024xi32, #tpu.memory_space<hbm>> -> memref<1024xi32, #tpu.memory_space<hbm>>
        tpu.wait_dma2 semaphore(%run_scoped3A : memref<!tpu.dma_semaphore, #tpu.memory_space<semaphore_mem>>) src(%dma_wait3A_58 : memref<1024xi32, #tpu.memory_space<hbm>>) dst(%arg7 : memref<1024xi32, #tpu.memory_space<vmem>>)
        tpu.yield
      }) : () -> ()
      %dma_start3A = arith.constant 0 : i32
      %dma_start3A_23 = tpu.memref_slice %arg5[%dma_start3A] : memref<1000000xf32, #tpu.memory_space<vmem_shared>> -> memref<1000000xf32, #tpu.memory_space<vmem_shared>>
      tpu.enqueue_indirect_dma source(%dma_start3A_23 : memref<1000000xf32, #tpu.memory_space<vmem_shared>>) target(%arg8 : memref<1024xf32, #tpu.memory_space<vmem>>) offsets(%arg7 : memref<1024xi32, #tpu.memory_space<vmem>>) semaphore(%arg10 : memref<!tpu.dma_semaphore, #tpu.memory_space<semaphore_mem>>)
      %dma_wait3A = arith.constant 0 : i32
      %dma_wait3A_24 = tpu.memref_slice %arg5[%dma_wait3A] : memref<1000000xf32, #tpu.memory_space<vmem_shared>> -> memref<1000000xf32, #tpu.memory_space<vmem_shared>>
      tpu.wait_indirect_dma semaphore(%arg10 : memref<!tpu.dma_semaphore, #tpu.memory_space<semaphore_mem>>) src(%dma_wait3A_24 : memref<1000000xf32, #tpu.memory_space<vmem_shared>>) dst(%arg8 : memref<1024xf32, #tpu.memory_space<vmem>>)
      %mul3A_25 = arith.constant 1024 : i32
      %mul3A_26 = arith.muli %arg1, %mul3A_25 : i32
      "tpu.region"() ({
        %run_scoped3A = tpu.sem_alloc : memref<!tpu.dma_semaphore, #tpu.memory_space<semaphore_mem>>
        %dma_start3A_51 = tpu.memref_slice %arg4[%add3A, %mul3A_26] : memref<64x16384xf32, #tpu.memory_space<hbm>> -> memref<1x1024xf32, #tpu.memory_space<hbm>>
        %dma_start3A_52 = tpu.memref_squeeze %dma_start3A_51 : memref<1x1024xf32, #tpu.memory_space<hbm>> -> memref<1024xf32, #tpu.memory_space<hbm>>
        %dma_start3A_53 = tpu.memref_slice %arg4[%add3A, %mul3A_26] : memref<64x16384xf32, #tpu.memory_space<hbm>> -> memref<1x1024xf32, #tpu.memory_space<hbm>>
        %dma_start3A_54 = tpu.memref_squeeze %dma_start3A_53 : memref<1x1024xf32, #tpu.memory_space<hbm>> -> memref<1024xf32, #tpu.memory_space<hbm>>
        tpu.enqueue_dma source(%arg8 : memref<1024xf32, #tpu.memory_space<vmem>>) target(%dma_start3A_54 : memref<1024xf32, #tpu.memory_space<hbm>>) target_semaphore(%run_scoped3A : memref<!tpu.dma_semaphore, #tpu.memory_space<semaphore_mem>>)
        %dma_wait3A_55 = tpu.memref_slice %arg4[%add3A, %mul3A_26] : memref<64x16384xf32, #tpu.memory_space<hbm>> -> memref<1x1024xf32, #tpu.memory_space<hbm>>
        %dma_wait3A_56 = tpu.memref_squeeze %dma_wait3A_55 : memref<1x1024xf32, #tpu.memory_space<hbm>> -> memref<1024xf32, #tpu.memory_space<hbm>>
        %dma_wait3A_57 = tpu.memref_slice %arg4[%add3A, %mul3A_26] : memref<64x16384xf32, #tpu.memory_space<hbm>> -> memref<1x1024xf32, #tpu.memory_space<hbm>>
        %dma_wait3A_58 = tpu.memref_squeeze %dma_wait3A_57 : memref<1x1024xf32, #tpu.memory_space<hbm>> -> memref<1024xf32, #tpu.memory_space<hbm>>
        tpu.wait_dma2 semaphore(%run_scoped3A : memref<!tpu.dma_semaphore, #tpu.memory_space<semaphore_mem>>) src(%arg8 : memref<1024xf32, #tpu.memory_space<vmem>>) dst(%dma_wait3A_58 : memref<1024xf32, #tpu.memory_space<hbm>>)
        tpu.yield
      }) : () -> ()
      %barrier3A_27 = arith.constant 0 : index
      tpu.barrier barrier_id(%barrier3A_27)
      %eq3A_28 = arith.constant 0 : i32
      %eq3A_29 = arith.cmpi eq, %arg1, %eq3A_28 : i32
      %convert_element_type3A_30 = arith.extui %eq3A_29 : i1 to i32
      %cond3A_31 = arith.constant 0 : i32
      %cond3A_32 = arith.cmpi ne, %convert_element_type3A_30, %cond3A_31 : i32
      scf.if %cond3A_32 {
        %dma_wait3A_51 = arith.constant 0 : i32
        %dma_wait3A_52 = arith.constant 0 : i32
        %dma_wait3A_53 = tpu.memref_slice %arg2[%dma_wait3A_51, %dma_wait3A_52] : memref<64x1000000xf32, #tpu.memory_space<hbm>> -> memref<1x1000000xf32, #tpu.memory_space<hbm>>
        %dma_wait3A_54 = tpu.memref_squeeze %dma_wait3A_53 : memref<1x1000000xf32, #tpu.memory_space<hbm>> -> memref<1000000xf32, #tpu.memory_space<hbm>>
        tpu.wait_dma2 semaphore(%arg9 : memref<!tpu.dma_semaphore, #tpu.memory_space<semaphore_mem>>) src(%dma_wait3A_54 : memref<1000000xf32, #tpu.memory_space<hbm>>) dst(%arg6 : memref<1000000xf32, #tpu.memory_space<vmem_shared>>)
      } else {
      }
      %barrier3A_33 = arith.constant 0 : index
      tpu.barrier barrier_id(%barrier3A_33)
      %eq3A_34 = arith.constant 0 : i32
      %eq3A_35 = arith.cmpi eq, %arg1, %eq3A_34 : i32
      %lt3A = arith.constant 15 : i32
      %lt3A_36 = arith.cmpi slt, %scan3A_8, %lt3A : i32
      %and3A = arith.andi %eq3A_35, %lt3A_36 : i1
      %convert_element_type3A_37 = arith.extui %and3A : i1 to i32
      %cond3A_38 = arith.constant 0 : i32
      %cond3A_39 = arith.cmpi ne, %convert_element_type3A_37, %cond3A_38 : i32
      scf.if %cond3A_39 {
        %add3A_51 = arith.constant 2 : i32
        %add3A_52 = arith.addi %add3A, %add3A_51 : i32
        %dma_start3A_53 = arith.constant 0 : i32
        %dma_start3A_54 = tpu.memref_slice %arg2[%add3A_52, %dma_start3A_53] : memref<64x1000000xf32, #tpu.memory_space<hbm>> -> memref<1x1000000xf32, #tpu.memory_space<hbm>>
        %dma_start3A_55 = tpu.memref_squeeze %dma_start3A_54 : memref<1x1000000xf32, #tpu.memory_space<hbm>> -> memref<1000000xf32, #tpu.memory_space<hbm>>
        tpu.enqueue_dma source(%dma_start3A_55 : memref<1000000xf32, #tpu.memory_space<hbm>>) target(%arg5 : memref<1000000xf32, #tpu.memory_space<vmem_shared>>) target_semaphore(%arg9 : memref<!tpu.dma_semaphore, #tpu.memory_space<semaphore_mem>>)
      } else {
      }
      %add3A_40 = arith.constant 1 : i32
      %add3A_41 = arith.addi %add3A, %add3A_40 : i32
      %mul3A_42 = arith.constant 1024 : i32
      %mul3A_43 = arith.muli %arg1, %mul3A_42 : i32
      "tpu.region"() ({
        %run_scoped3A = tpu.sem_alloc : memref<!tpu.dma_semaphore, #tpu.memory_space<semaphore_mem>>
        %dma_start3A_51 = tpu.memref_slice %arg3[%add3A_41, %mul3A_43] : memref<64x16384xi32, #tpu.memory_space<hbm>> -> memref<1x1024xi32, #tpu.memory_space<hbm>>
        %dma_start3A_52 = tpu.memref_squeeze %dma_start3A_51 : memref<1x1024xi32, #tpu.memory_space<hbm>> -> memref<1024xi32, #tpu.memory_space<hbm>>
        %dma_start3A_53 = tpu.memref_slice %arg3[%add3A_41, %mul3A_43] : memref<64x16384xi32, #tpu.memory_space<hbm>> -> memref<1x1024xi32, #tpu.memory_space<hbm>>
        %dma_start3A_54 = tpu.memref_squeeze %dma_start3A_53 : memref<1x1024xi32, #tpu.memory_space<hbm>> -> memref<1024xi32, #tpu.memory_space<hbm>>
        tpu.enqueue_dma source(%dma_start3A_54 : memref<1024xi32, #tpu.memory_space<hbm>>) target(%arg7 : memref<1024xi32, #tpu.memory_space<vmem>>) target_semaphore(%run_scoped3A : memref<!tpu.dma_semaphore, #tpu.memory_space<semaphore_mem>>)
        %dma_wait3A_55 = tpu.memref_slice %arg3[%add3A_41, %mul3A_43] : memref<64x16384xi32, #tpu.memory_space<hbm>> -> memref<1x1024xi32, #tpu.memory_space<hbm>>
        %dma_wait3A_56 = tpu.memref_squeeze %dma_wait3A_55 : memref<1x1024xi32, #tpu.memory_space<hbm>> -> memref<1024xi32, #tpu.memory_space<hbm>>
        %dma_wait3A_57 = tpu.memref_slice %arg3[%add3A_41, %mul3A_43] : memref<64x16384xi32, #tpu.memory_space<hbm>> -> memref<1x1024xi32, #tpu.memory_space<hbm>>
        %dma_wait3A_58 = tpu.memref_squeeze %dma_wait3A_57 : memref<1x1024xi32, #tpu.memory_space<hbm>> -> memref<1024xi32, #tpu.memory_space<hbm>>
        tpu.wait_dma2 semaphore(%run_scoped3A : memref<!tpu.dma_semaphore, #tpu.memory_space<semaphore_mem>>) src(%dma_wait3A_58 : memref<1024xi32, #tpu.memory_space<hbm>>) dst(%arg7 : memref<1024xi32, #tpu.memory_space<vmem>>)
        tpu.yield
      }) : () -> ()
      %dma_start3A_44 = arith.constant 0 : i32
      %dma_start3A_45 = tpu.memref_slice %arg6[%dma_start3A_44] : memref<1000000xf32, #tpu.memory_space<vmem_shared>> -> memref<1000000xf32, #tpu.memory_space<vmem_shared>>
      tpu.enqueue_indirect_dma source(%dma_start3A_45 : memref<1000000xf32, #tpu.memory_space<vmem_shared>>) target(%arg8 : memref<1024xf32, #tpu.memory_space<vmem>>) offsets(%arg7 : memref<1024xi32, #tpu.memory_space<vmem>>) semaphore(%arg10 : memref<!tpu.dma_semaphore, #tpu.memory_space<semaphore_mem>>)
      %dma_wait3A_46 = arith.constant 0 : i32
      %dma_wait3A_47 = tpu.memref_slice %arg6[%dma_wait3A_46] : memref<1000000xf32, #tpu.memory_space<vmem_shared>> -> memref<1000000xf32, #tpu.memory_space<vmem_shared>>
      tpu.wait_indirect_dma semaphore(%arg10 : memref<!tpu.dma_semaphore, #tpu.memory_space<semaphore_mem>>) src(%dma_wait3A_47 : memref<1000000xf32, #tpu.memory_space<vmem_shared>>) dst(%arg8 : memref<1024xf32, #tpu.memory_space<vmem>>)
      %mul3A_48 = arith.constant 1024 : i32
      %mul3A_49 = arith.muli %arg1, %mul3A_48 : i32
      "tpu.region"() ({
        %run_scoped3A = tpu.sem_alloc : memref<!tpu.dma_semaphore, #tpu.memory_space<semaphore_mem>>
        %dma_start3A_51 = tpu.memref_slice %arg4[%add3A_41, %mul3A_49] : memref<64x16384xf32, #tpu.memory_space<hbm>> -> memref<1x1024xf32, #tpu.memory_space<hbm>>
        %dma_start3A_52 = tpu.memref_squeeze %dma_start3A_51 : memref<1x1024xf32, #tpu.memory_space<hbm>> -> memref<1024xf32, #tpu.memory_space<hbm>>
        %dma_start3A_53 = tpu.memref_slice %arg4[%add3A_41, %mul3A_49] : memref<64x16384xf32, #tpu.memory_space<hbm>> -> memref<1x1024xf32, #tpu.memory_space<hbm>>
        %dma_start3A_54 = tpu.memref_squeeze %dma_start3A_53 : memref<1x1024xf32, #tpu.memory_space<hbm>> -> memref<1024xf32, #tpu.memory_space<hbm>>
        tpu.enqueue_dma source(%arg8 : memref<1024xf32, #tpu.memory_space<vmem>>) target(%dma_start3A_54 : memref<1024xf32, #tpu.memory_space<hbm>>) target_semaphore(%run_scoped3A : memref<!tpu.dma_semaphore, #tpu.memory_space<semaphore_mem>>)
        %dma_wait3A_55 = tpu.memref_slice %arg4[%add3A_41, %mul3A_49] : memref<64x16384xf32, #tpu.memory_space<hbm>> -> memref<1x1024xf32, #tpu.memory_space<hbm>>
        %dma_wait3A_56 = tpu.memref_squeeze %dma_wait3A_55 : memref<1x1024xf32, #tpu.memory_space<hbm>> -> memref<1024xf32, #tpu.memory_space<hbm>>
        %dma_wait3A_57 = tpu.memref_slice %arg4[%add3A_41, %mul3A_49] : memref<64x16384xf32, #tpu.memory_space<hbm>> -> memref<1x1024xf32, #tpu.memory_space<hbm>>
        %dma_wait3A_58 = tpu.memref_squeeze %dma_wait3A_57 : memref<1x1024xf32, #tpu.memory_space<hbm>> -> memref<1024xf32, #tpu.memory_space<hbm>>
        tpu.wait_dma2 semaphore(%run_scoped3A : memref<!tpu.dma_semaphore, #tpu.memory_space<semaphore_mem>>) src(%arg8 : memref<1024xf32, #tpu.memory_space<vmem>>) dst(%dma_wait3A_58 : memref<1024xf32, #tpu.memory_space<hbm>>)
        tpu.yield
      }) : () -> ()
      %barrier3A_50 = arith.constant 0 : index
      tpu.barrier barrier_id(%barrier3A_50)
    }
    %scan3A_7 = arith.constant 16 : i32
    return
  }
}

</mosaic_0001>

<sc_bundles>
// kernel: kernel.3.cloned.1.call-start
scs
__scs_entry_jumppad:
0x0: {  	(pc) =	sbr.rel $0x88, $3  }
0x1: {  	(tag) =	ssettag $0x0;
	lr =	simm.s32 $0x1  }
0x2: {  	[smem:$0x3F9F] =	sst lr;
	_ =	strace $0xD0000000  }
0x3: {  	_ = 	snop  }
0x4: {  	_ = 	snop  }
0x5: {  	_ = 	snop  }
0x6: {  	_ = 	snop  }
0x7: {  	_ = 	snop  }
__scs_overlays_trampoline_lowered:
0x8: {  	[smem:$0x3FAE] =	sst s0  }
0x9: {  	[smem:$0x3FAF] =	sst s1  }
0xa: {  	[smem:$0x3FB0] =	sst s2  }
0xb: {  	[smem:$0x3FB1] =	sst s3  }
0xc: {  	[smem:$0x3FB2] =	sst s4  }
0xd: {  	[smem:$0x3FB3] =	sst s5  }
0xe: {  	[smem:$0x3FB4] =	sst s6  }
0xf: {  	[smem:$0x3FB5] =	sst s7  }
0x10: {  	[smem:$0x3FB6] =	sst s8  }
0x11: {  	[smem:$0x3FB7] =	sst s9;
	s0 =	simm.s32 @!p0 $0x0  }
0x12: {  	s1 =	sld [smem:$0x3F9D];
	s0 =	simm.s32 @p0 $0x1  }
0x13: {  	[smem:$0x3FB8] =	sst s0;
	s0 =	simm.s32 @!p1 $0x0  }
0x14: {  	s2 =	sld [smem:$0x3F9C];
	s0 =	simm.s32 @p1 $0x1  }
0x15: {  	[smem:$0x3FB9] =	sst s0;
	s0 =	simm.s32 @!p2 $0x0  }
0x16: {  	s3 =	sld [smem:$0x3FDB];
	s0 =	simm.s32 @p2 $0x1  }
0x17: {  	s4 =	simm.s32 $0x1BF5;
	[smem:$0x3FBB] =	sst s0  }
0x18: {  	s0 =	sld [smem:$0x3F9E];
	_ =	swait.ge [sflag:s4], $0x0  }
0x19: {  	s7 =	sld [smem:$0x3F9F]  }
0x1a: {  	s8 =	sadd.s32 $0xFFFFE003, lr  }
0x1b: {  	s9 =	sadd.s32 $0xFFFFFEF7, lr;
	s5 =	simm.s32 $0xFFFFFFFF;
	p2 =	slt.u32 s8, $0xFFFFF086  }
0x1c: {  	p1 =	slt.u32 s9, $0xF7A;
	s5 =	simm.s32 @!p2 $0x0  }
0x1d: {  	s5 =	simm.s32 @p1 $0x1;
	p0 =	seq.s32 s7, s2  }
0x1e: {  	s7 =	smul.u32 @!p0 $0xF7A, s2;
	p2 =	seq.s32 @!p0 s5, $0x0  }
0x1f: {  	s9 =	smul.u32 $0xF7A, s1;
	s8 =	simm.s32 @!p0 $0x1BF5;
	p2 =	por !p2, p0  }
0x20: {  	[sflag:s8] =	ssyncset.s32 @!p0 $0xFFFFF086;
	s6 =	sadd.s32 @!p0 s3, s7;
	s7 =	simm.s32 @!p0 $0x108  }
0x21: {  	s3 =	sadd.s32 s3, s9;
	s6 =	sadd.s32 @!p0 $0x88, s6;
	s7 =	simm.s32 @p2 $0x1082  }
0x22: {  	[simem:s7], [sflag:s8] =	dma.local @!p0 [hbm:s6], $0xF7A  }
0x23: {  	s9 =	sor.u32 $0xD0000000, s2;
	s6 =	simm.s32 $0x108;
	_ =	swait.ge @!p0 [sflag:s8], $0x0  }
0x24: {  	s3 =	sadd.s32 $0x88, s3;
	s6 =	simm.s32 @!p1 $0x1082;
	[sflag:s4] =	ssyncset.s32 $0xFFFFF086  }
0x25: {  	[simem:s6], [sflag:s4] =	dma.local [hbm:s3], $0xF7A  }
0x26: {  	[smem:$0x3F9F] =	sst s1;
	(tag) =	ssettag s2;
	_ =	strace s9  }
0x27: {  	s1 =	sld [smem:$0x3FAF]  }
0x28: {  	s2 =	sld [smem:$0x3FB0]  }
0x29: {  	s4 =	sld [smem:$0x3FB2]  }
0x2a: {  	p0 =	seq.s32 s5, $0x0;
	s5 =	sld [smem:$0x3FB3]  }
0x2b: {  	s6 =	sld [smem:$0x3FB4]  }
0x2c: {  	s7 =	sld [smem:$0x3FB5]  }
0x2d: {  	s3 =	simm.s32 $0x108;
	s8 =	sld [smem:$0x3FB6]  }
0x2e: {  	s3 =	simm.s32 @!p0 $0x1082;
	s9 =	sld [smem:$0x3FB7]  }
0x2f: {  	lr =	sadd.s32 s0, s3;
	s0 =	sld [smem:$0x3FAE]  }
0x30: {  	s3 =	sld [smem:$0x3FB1]  }
0x31: {  	[smem:$0x3FBA] =	sst s10  }
0x32: {  	s10 =	sld [smem:$0x3FB8];
	_ =	sdelay $0x3  }
0x33: {  	p0 =	seq.s32 s10, $0x1;
	s10 =	sld [smem:$0x3FBA];
	_ =	sdelay $0x3  }
0x34: {  	[smem:$0x3FBA] =	sst s10  }
0x35: {  	s10 =	sld [smem:$0x3FB9];
	_ =	sdelay $0x3  }
0x36: {  	p1 =	seq.s32 s10, $0x1;
	s10 =	sld [smem:$0x3FBA];
	_ =	sdelay $0x3  }
0x37: {  	[smem:$0x3FBA] =	sst s10  }
0x38: {  	s10 =	sld [smem:$0x3FBB]  }
0x39: {  	_ = 	snop;
	(pc) =	sbr.ind lr, $3  }
0x3a: {  	_ = 	snop  }
0x3b: {  	_ = 	snop  }
0x3c: {  	p2 =	seq.s32 s10, $0x1;
	s10 =	sld [smem:$0x3FBA]  }
0x3d: {  	_ =	shalt  }
0x3e: {  	_ =	shalt  }
0x3f: {  	_ =	shalt  }
0x40: {  	_ =	shalt  }
0x41: {  	_ =	shalt  }
0x42: {  	_ =	shalt  }
0x43: {  	_ =	shalt  }
0x44: {  	_ =	shalt  }
0x45: {  	_ =	shalt  }
0x46: {  	_ =	shalt  }
0x47: {  	_ =	shalt  }
0x48: {  	_ =	shalt  }
0x49: {  	_ =	shalt  }
0x4a: {  	_ =	shalt  }
0x4b: {  	_ =	shalt  }
0x4c: {  	_ =	shalt  }
0x4d: {  	_ =	shalt  }
0x4e: {  	_ =	shalt  }
0x4f: {  	_ =	shalt  }
0x50: {  	_ =	shalt  }
0x51: {  	_ =	shalt  }
0x52: {  	_ =	shalt  }
0x53: {  	_ =	shalt  }
0x54: {  	_ =	shalt  }
0x55: {  	_ =	shalt  }
0x56: {  	_ =	shalt  }
0x57: {  	_ =	shalt  }
0x58: {  	_ =	shalt  }
0x59: {  	_ =	shalt  }
0x5a: {  	_ =	shalt  }
0x5b: {  	_ =	shalt  }
0x5c: {  	_ =	shalt  }
0x5d: {  	_ =	shalt  }
0x5e: {  	_ =	shalt  }
0x5f: {  	_ =	shalt  }
0x60: {  	_ =	shalt  }
0x61: {  	_ =	shalt  }
0x62: {  	_ =	shalt  }
0x63: {  	_ =	shalt  }
0x64: {  	_ =	shalt  }
0x65: {  	_ =	shalt  }
0x66: {  	_ =	shalt  }
0x67: {  	_ =	shalt  }
0x68: {  	_ =	shalt  }
0x69: {  	_ =	shalt  }
0x6a: {  	_ =	shalt  }
0x6b: {  	_ =	shalt  }
0x6c: {  	_ =	shalt  }
0x6d: {  	_ =	shalt  }
0x6e: {  	_ =	shalt  }
0x6f: {  	_ =	shalt  }
0x70: {  	_ =	shalt  }
0x71: {  	_ =	shalt  }
0x72: {  	_ =	shalt  }
0x73: {  	_ =	shalt  }
0x74: {  	_ =	shalt  }
0x75: {  	_ =	shalt  }
0x76: {  	_ =	shalt  }
0x77: {  	_ =	shalt  }
0x78: {  	_ =	shalt  }
0x79: {  	_ =	shalt  }
0x7a: {  	_ =	shalt  }
0x7b: {  	_ =	shalt  }
0x7c: {  	_ =	shalt  }
0x7d: {  	_ =	shalt  }
0x7e: {  	_ =	shalt  }
0x7f: {  	_ =	shalt  }
0x80: {  	_ =	shalt  }
0x81: {  	_ =	shalt  }
0x82: {  	_ =	shalt  }
0x83: {  	_ =	shalt  }
0x84: {  	_ =	shalt  }
0x85: {  	_ =	shalt  }
0x86: {  	_ =	shalt  }
0x87: {  	_ =	shalt  }
.Lfunc_end0:
.L_simem_size_0:
called_computation_lowered:
.L_overlay_start_0:
0x88: {  	s2 =	sld [smem:$0x3FD9]  }
0x89: {  	s3 =	sld [smem:$0x3FFE];
	_ =	sdelay $0x1  }
0x8a: {  	s1 =	srdreg.scid  }
0x8b: {  	s0 =	sand.u32 $0x1, s1  }
0x8c: {  	s18 =	sshll.u32 s0, $0xA;
	s2 =	sadd.s32 s3, s2  }
0x8d: {  	s2 =	sadd.s32 s2, s18  }
0x8e: {  	[smem:$0x3FC6] =	sst s2  }
0x8f: {  	_ = 	snop  }
0x90: {  	s2 =	sld [smem:$0x3FC9]  }
0x91: {  	s19 =	sld [smem:$0x3FC8]  }
0x92: {  	s4 =	sld [smem:$0x3FD0];
	(tm) =	ssettm $0x1  }
0x93: {  	s5 =	sld [smem:$0x3FFB];
	_ =	sdelay $0x3  }
0x94: {  	_ =	strace s5  }
0x95: {  	s5 =	sld [smem:$0x3FFC];
	_ =	sdelay $0x3  }
0x96: {  	_ =	strace s5  }
0x97: {  	s5 =	sld [smem:$0x3FFD];
	_ =	sdelay $0x3  }
0x98: {  	_ =	strace s5  }
0x99: {  	_ =	strace $0x8FFFFFFF  }
0x9a: {  	s20 =	sld [smem:$0x3FDB];
	_ =	sdelay $0x1  }
0x9b: {  	s6 =	simm.s32 $_scs_section_size  }
0x9c: {  	s7 =	simm.s32 $_size__tile_overlayer_lowered;
	s8 =	simm.s32 $_tile_overlayer_lowered  }
0x9d: {  	s23 =	simm.s32 $0x1BFF;
	s22 =	sshll.u32 s8, $0x1;
	s5 =	sadd.s32 s6, s20  }
0x9e: {  	s9 =	simm.s32 $0x0;
	s21 =	sshll.u32 s7, $0x1;
	s7 =	sadd.s32 s22, s5  }
0x9f: {  	[timem:s9], [sflag:s23] =	dma.local [hbm:s7], s21  }
0xa0: {  	_ =	swait.ge [sflag:s23], s21  }
0xa1: {  	s6 =	ssub.s32 $0x0, s21;
	[sflag:s23] =	ssyncset.done $0x0  }
0xa2: {  	[sflag:s23] =	ssyncadd.s32 s6;
	_ =	sdelay $0x1  }
0xa3: {  	s24 =	simm.s32 $0x1B8B  }
0xa4: {  	_ =	swait.ge [sflag:s24], $0x1  }
0xa5: {  	[sflag:s24] =	ssyncset.done $0x0  }
0xa6: {  	s25 =	simm.s32 $0x1B8E;
	[sflag:s24] =	ssyncadd.s32 $0xFFFFFFFF  }
0xa7: {  	s26 =	simm.s32 $execute0_lowered;
	[smem:$0x3FD2] =	sst s25  }
0xa8: {  	s6 =	sshll.u32 s26, $0x1;
	_ =	strace $0x80000046;
	[dreg:$0x1] =	wrdreg $0xFFFFFFFF  }
0xa9: {  	s28 =	simm.s32 $_size_execute0_lowered;
	s5 =	sadd.s32 s5, s6;
	[dreg:$0x0] =	wrdreg $0x0  }
0xaa: {  	s6 =	sshll.u32 s28, $0x1;
	[dreg:$0x2] =	wrdreg s5  }
0xab: {  	[dreg:$0x3] =	wrdreg s6  }
0xac: {  	[dreg:$0x4] =	wrdreg $0xC0  }
0xad: {  	_ =	task [dreg:s9], $0x5FFFF  }
0xae: {  	[dreg:$0x1] =	wrdreg $0xFFFFFFFF  }
0xaf: {  	[dreg:$0x0] =	wrdreg $0x60  }
0xb0: {  	[dreg:$0x2] =	wrdreg s2  }
0xb1: {  	[dreg:$0x3] =	wrdreg s19  }
0xb2: {  	[dreg:$0x4] =	wrdreg s4  }
0xb3: {  	[dreg:$0x5] =	wrdreg $0x0  }
0xb4: {  	[dreg:$0x6] =	wrdreg $0xF4280  }
0xb5: {  	[dreg:$0x7] =	wrdreg $0x9  }
0xb6: {  	_ =	task.clear_ibuf [dreg:s9], $0x8FFFF;
	_ =	strace $0x90000046  }
0xb7: {  	s29 =	simm.s32 $0x9;
	_ =	strace $0x80000048  }
0xb8: {  	_ =	swait.ge [sflag:s29], $0x1  }
0xb9: {  	[sflag:s29] =	ssyncadd.s32 $0xFFFFFFFF  }
0xba: {  	_ =	strace $0x90000048  }
0xbb: {  	_ =	sfence  }
0xbc: {  	s30 =	sld [smem:$0x0];
	_ =	sdelay $0x2  }
0xbd: {  	s31 =	sshll.u32 s1, $0xD;
	s1 =	sshrl.u32 s1, $0x2  }
0xbe: {  	s3 =	sand.u32 $0x4000, s31;
	s1 =	sadd.s32 s1, s30  }
0xbf: {  	s0 =	sor.u32 s3, s0;
	s1 =	sshll.u32 s1, $0x11  }
0xc0: {  	s0 =	sor.u32 s1, s0  }
0xc1: {  	s0 =	sadd.s32 $0x8F2B, s0  }
0xc2: {  	[sflag:s0] =	ssyncadd.remote.s32 $0x1  }
0xc3: {  	_ =	sfence.sel $0xFFFF  }
0xc4: {  	[dreg:$0x0] =	wrdreg $0xFFFFFFFF;
	(pc) =	sbr.abs _section_cstart, $3  }
0xc5: {  	[dreg:$0x1] =	wrdreg $0xFFFFFFFF  }
0xc6: {  	_ =	task.clear_ibuf [dreg:s9], $0x2FFFF;
	_ =	strace $0x9FFFFFFF  }
0xc7: {  	(tm) =	ssettm $0x7FFFFFFF  }
tec
execute0_lowered:
.L_overlay_start_1:
0x0: {  	(tag) =	ssettag $0x1  }
0x1: {  	s0 =	rddreg [dreg:$0x0]  }
0x2: {  	s2 =	rddreg [dreg:$0x1]  }
0x3: {  	s3 =	rddreg [dreg:$0x2]  }
0x4: {  	s4 =	rddreg [dreg:$0x3]  }
0x5: {  	s5 =	rddreg [dreg:$0x4];
	s7 =	srdreg.scid;
	s1 =	simm.s32 $0x0  }
0x6: {  	s13 =	stileid.u32;
	s15 =	simm.s32 $0x1E850;
	s16 =	simm.s32 $0x3  }
0x7: {  	s17 =	simm.s32 $0x1EC50;
	s18 =	simm.s32 $0x2;
	s19 =	simm.s32 $0x0  }
0x8: {  	s11 =	sand.u32 $0x1, s7;
	[smem:$0x7FF] =	sst s1;
	p0 =	sne.s32 s13, $0x0  }
0x9: {  	s7 =	ssub.s32 $0x2, s11;
	s9 =	smul.u32 $0x3D0A00, s11;
	s1 =	sshrl.u32 @!p0 s4, $0x3  }
0xa: {  	_ =	strace $0x80000047;
	s14 =	sshrl.u32 @!p0 s5, $0x3;
	[dreg:$0xb] =	wrdreg s1  }
0xb: {  	p1 =	seq.s32 s13, $0x0;
	s8 =	sshrl.u32 s7, $0x1;
	[dreg:$0x8] =	wrdreg s14  }
0xc: {  	s10 =	ssub.s32 s7, s8;
	s7 =	sshll.u32 s13, $0xD;
	s29 =	sadd.s32 s0, s9  }
0xd: {  	s31 =	sshll.u32 s11, $0xC;
	[dreg:$0x9] =	wrdreg s29;
	s12 =	sor.u32 $0x80, s7  }
0xe: {  	s14 =	simm.s32 $0x400;
	s30 =	smax.u32 s10, $0x1;
	[dreg:$0x6] =	wrdreg s12  }
0xf: {  	s8 =	sshll.u32 s11, $0x5;
	[dreg:$0xa] =	wrdreg s30;
	s12 =	sor.u32 $0x100, s31  }
0x10: {  	s11 =	sshll.u32 s11, $0x13;
	s13 =	simm.s32 $0x80;
	[dreg:$0x7] =	wrdreg s12  }
.LBB2_1:
0x11: {  	s20 =	simm.s32 @!p0 $0x1  }
0x12: {  	s21 =	simm.s32 @!p0 $0x10;
	s22 =	simm.s32 @!p0 $0x80;
	s1 =	rddreg [dreg:$0x9]  }
0x13: {  	s23 =	simm.s32 @!p0 $0x1C01;
	s6 =	rddreg [dreg:$0xb];
	s24 =	sshrl.u32 @!p0 s8, $0x3  }
0x14: {  	[spmem:s6@s21], [sflag:s23] =	dma.strided @!p0 [hbm:s1@s22], $0x1E850, s20, $0x10   }
0x15: {  	s24 =	smul.u32 @!p0 $0x7A1400, s24;
	s1 =	simm.s32 $0x0  }
0x16: {  	[bflag:$0x0] =	sbarrier.arrive @p0 $0xFFFF;
	s25 =	sand.u32 @!p0 $0x300, s1;
	s26 =	sand.u32 @p0 $0x300, s1  }
0x17: {  	_ =	swait.ge @!p0 [sflag:s20], $0x1E850;
	s24 =	sor.u32 @!p0 s24, s25;
	s25 =	smov.u32 @p0 s26  }
0x18: {  	s12 =	sand.u32 $0xE0000, s11;
	[sflag:s20] =	ssyncset.done @!p0 $0x0;
	s28 =	sor.u32 s7, s25  }
0x19: {  	s24 =	sor.u32 @!p0 $0x80, s24;
	[sflag:s20] =	ssyncadd.s32 @!p0 $0xFFFE17B0;
	s28 =	sor.u32 s12, s28  }
0x1a: {  	s24 =	sshrl.u32 @!p0 s24, $0x3;
	[bflag:$0x0] =	sbarrier.arrive @!p0 $0xFFFF;
	s28 =	sshrl.u32 s28, $0x3  }
0x1b: {  	s24 =	sadd.s32 @!p0 s0, s24;
	s29 =	rddreg [dreg:$0x8];
	s30 =	sadd.s32 s2, s28  }
0x1c: {  	[spmem:s29@s21], [sflag:s23] =	dma.strided @!p0 [hbm:s24@s22], $0x1E850, s20, $0x10   }
0x1d: {  	[tilespmem:s15], [sflag:$0x3] =	stream.strided.gather [hbm4b:s30+s13], $0x400, s14, s13, $0x38;
	[tilespmem:$0x1F050] =	vst v63  }
0x1e: {  	_ =	swait.ge [sflag:s16], $0x400  }
0x1f: {  	[sflag:s16] =	ssyncset.done $0x0  }
0x20: {  	[sflag:s16] =	ssyncadd.s32 $0xFFFFFC00  }
0x21: {  	[tilespmem:s17], [sflag:$0x2] =	stream.indirect.gather [spmem:s4], $0x1, s15, s14, $0xb8;
	[tilespmem:$0x1F050] =	vst v63  }
0x22: {  	_ =	swait.ge [sflag:s18], $0x400  }
0x23: {  	[sflag:s18] =	ssyncset.done $0x0  }
0x24: {  	s29 =	sadd.s32 s3, s28;
	[sflag:s18] =	ssyncadd.s32 $0xFFFFFC00  }
0x25: {  	[hbm4b:s29+s13] =	stream.strided.scatter [tilespmem:s17], [sflag:$0x3], $0x400, s14, s13, $0x38;
	[tilespmem:$0x1F050] =	vst v63  }
0x26: {  	_ =	swait.ge [sflag:s16], $0x400  }
0x27: {  	[sflag:s16] =	ssyncset.done $0x0  }
0x28: {  	[sflag:s16] =	ssyncadd.s32 $0xFFFFFC00  }
0x29: {  	s24 =	simm.s32 @p1 $0x1;
	[bflag:$0x0] =	sbarrier.arrive $0xFFFF  }
0x2a: {  	_ =	swait.ge @p1 [sflag:s24], $0x1E850  }
0x2b: {  	p2 =	por @p1 $0x0, $0x0;
	[sflag:s24] =	ssyncset.done @p1 $0x0  }
0x2c: {  	p2 =	por p2, !p1;
	[sflag:s24] =	ssyncadd.s32 @p1 $0xFFFE17B0  }
0x2d: {  	s29 =	sadd.s32 @!p2 $0x2, s8;
	[bflag:$0x0] =	sbarrier.arrive @p1 $0xFFFF  }
0x2e: {  	s29 =	sshrl.u32 @!p2 s29, $0x3;
	s28 =	rddreg [dreg:$0x7]  }
0x2f: {  	s29 =	smul.u32 @!p2 $0x7A1400, s29;
	s28 =	sadd.s32 @!p2 $0x0, s28  }
0x30: {  	s28 =	sand.u32 @!p2 $0x300, s28  }
0x31: {  	s31 =	simm.s32 @!p2 $0x80;
	s28 =	sor.u32 @!p2 s28, s29  }
0x32: {  	s1 =	sshrl.u32 @!p2 s4, $0x3;
	s6 =	simm.s32 @!p2 $0x1;
	s28 =	sshrl.u32 @!p2 s28, $0x3  }
0x33: {  	s30 =	simm.s32 @!p2 $0x1C01;
	s29 =	simm.s32 @!p2 $0x10;
	s28 =	sadd.s32 @!p2 s0, s28  }
0x34: {  	[spmem:s1@s29], [sflag:s30] =	dma.strided @!p2 [hbm:s28@s31], $0x1E850, s6, $0x10   }
0x35: {  	[bflag:$0x0] =	sbarrier.arrive @!p1 $0xFFFF  }
0x36: {  	s30 =	rddreg [dreg:$0x6]  }
0x37: {  	s1 =	sor.u32 s30, s25  }
0x38: {  	s1 =	sor.u32 s12, s1  }
0x39: {  	s1 =	sshrl.u32 s1, $0x3  }
0x3a: {  	s31 =	sadd.s32 s2, s1  }
0x3b: {  	[tilespmem:s15], [sflag:$0x3] =	stream.strided.gather [hbm4b:s31+s13], $0x400, s14, s13, $0x38;
	[tilespmem:$0x1F050] =	vst v63  }
0x3c: {  	_ =	swait.ge [sflag:s16], $0x400  }
0x3d: {  	[sflag:s16] =	ssyncset.done $0x0  }
0x3e: {  	[sflag:s16] =	ssyncadd.s32 $0xFFFFFC00  }
0x3f: {  	[tilespmem:s17], [sflag:$0x2] =	stream.indirect.gather [spmem:s5], $0x1, s15, s14, $0xb8;
	[tilespmem:$0x1F050] =	vst v63  }
0x40: {  	_ =	swait.ge [sflag:s18], $0x400  }
0x41: {  	[sflag:s18] =	ssyncset.done $0x0  }
0x42: {  	s1 =	sadd.s32 s3, s1;
	[sflag:s18] =	ssyncadd.s32 $0xFFFFFC00  }
0x43: {  	[hbm4b:s1+s13] =	stream.strided.scatter [tilespmem:s17], [sflag:$0x3], $0x400, s14, s13, $0x38;
	[tilespmem:$0x1F050] =	vst v63  }
0x44: {  	s26 =	sadd.s32 $0x2, s8;
	_ =	swait.ge [sflag:s16], $0x400  }
0x45: {  	s28 =	smov.u32 s11;
	s25 =	simm.s32 $0x100;
	[sflag:s16] =	ssyncset.done $0x0  }
.LBB2_2:
0x46: {  	[sflag:s16] =	ssyncadd.s32 $0xFFFFFC00;
	s28 =	sadd.s32 $0x8000, s28;
	s1 =	sshrl.u32 @!p0 s26, $0x3  }
0x47: {  	s31 =	smov.u32 s25;
	[bflag:$0x0] =	sbarrier.arrive $0xFFFF;
	s1 =	smul.u32 @!p0 $0x7A1400, s1  }
0x48: {  	s6 =	sand.u32 @p0 $0x300, s31;
	s30 =	sand.u32 @!p0 $0x300, s31;
	[bflag:$0x0] =	sbarrier.arrive @p0 $0xFFFF  }
0x49: {  	_ =	swait.ge @!p0 [sflag:s20], $0x1E850;
	s1 =	sor.u32 @!p0 s1, s30;
	s30 =	smov.u32 @p0 s6  }
0x4a: {  	s29 =	sand.u32 $0xE0000, s28;
	[sflag:s20] =	ssyncset.done @!p0 $0x0;
	s6 =	sor.u32 s7, s30  }
0x4b: {  	s1 =	sor.u32 @!p0 $0x80, s1;
	[sflag:s20] =	ssyncadd.s32 @!p0 $0xFFFE17B0;
	s6 =	sor.u32 s29, s6  }
0x4c: {  	s1 =	sshrl.u32 @!p0 s1, $0x3;
	[bflag:$0x0] =	sbarrier.arrive @!p0 $0xFFFF;
	s6 =	sshrl.u32 s6, $0x3  }
0x4d: {  	s1 =	sadd.s32 @!p0 s0, s1;
	s9 =	rddreg [dreg:$0x8];
	s10 =	sadd.s32 s2, s6  }
0x4e: {  	[spmem:s9@s21], [sflag:s23] =	dma.strided @!p0 [hbm:s1@s22], $0x1E850, s20, $0x10   }
0x4f: {  	[tilespmem:s15], [sflag:$0x3] =	stream.strided.gather [hbm4b:s10+s13], $0x400, s14, s13, $0x38;
	[tilespmem:$0x1F050] =	vst v63  }
0x50: {  	_ =	swait.ge [sflag:s16], $0x400  }
0x51: {  	[sflag:s16] =	ssyncset.done $0x0  }
0x52: {  	[sflag:s16] =	ssyncadd.s32 $0xFFFFFC00  }
0x53: {  	[tilespmem:s17], [sflag:$0x2] =	stream.indirect.gather [spmem:s4], $0x1, s15, s14, $0xb8;
	[tilespmem:$0x1F050] =	vst v63  }
0x54: {  	_ =	swait.ge [sflag:s18], $0x400  }
0x55: {  	[sflag:s18] =	ssyncset.done $0x0  }
0x56: {  	s10 =	sadd.s32 s3, s6;
	[sflag:s18] =	ssyncadd.s32 $0xFFFFFC00  }
0x57: {  	[hbm4b:s10+s13] =	stream.strided.scatter [tilespmem:s17], [sflag:$0x3], $0x400, s14, s13, $0x38;
	[tilespmem:$0x1F050] =	vst v63  }
0x58: {  	_ =	swait.ge [sflag:s16], $0x400  }
0x59: {  	[sflag:s16] =	ssyncset.done $0x0  }
0x5a: {  	[sflag:s16] =	ssyncadd.s32 $0xFFFFFC00  }
0x5b: {  	[bflag:$0x0] =	sbarrier.arrive $0xFFFF  }
0x5c: {  	_ =	swait.ge @p1 [sflag:s24], $0x1E850  }
0x5d: {  	p3 =	seq.s32 @p1 s31, $0xF00;
	[sflag:s24] =	ssyncset.done @p1 $0x0  }
0x5e: {  	p3 =	por p3, !p1;
	[sflag:s24] =	ssyncadd.s32 @p1 $0xFFFE17B0  }
0x5f: {  	s1 =	sadd.s32 @!p3 $0x2, s26;
	[bflag:$0x0] =	sbarrier.arrive @p1 $0xFFFF  }
0x60: {  	s1 =	sshrl.u32 @!p3 s1, $0x3;
	s6 =	rddreg [dreg:$0x7]  }
0x61: {  	s1 =	smul.u32 @!p3 $0x7A1400, s1;
	s6 =	sadd.s32 @!p3 s31, s6  }
0x62: {  	s6 =	sand.u32 @!p3 $0x300, s6  }
0x63: {  	s12 =	simm.s32 @!p3 $0x1;
	s1 =	sor.u32 @!p3 s6, s1  }
0x64: {  	s9 =	simm.s32 @!p3 $0x1C01;
	s10 =	simm.s32 @!p3 $0x80;
	s1 =	sshrl.u32 @!p3 s1, $0x3  }
0x65: {  	s31 =	sshrl.u32 @!p3 s4, $0x3;
	s6 =	simm.s32 @!p3 $0x10;
	s1 =	sadd.s32 @!p3 s0, s1  }
0x66: {  	[spmem:s31@s6], [sflag:s9] =	dma.strided @!p3 [hbm:s1@s10], $0x1E850, s12, $0x10   }
0x67: {  	[bflag:$0x0] =	sbarrier.arrive @!p1 $0xFFFF  }
0x68: {  	s12 =	rddreg [dreg:$0x6]  }
0x69: {  	s1 =	sor.u32 s12, s30  }
0x6a: {  	s1 =	sor.u32 s29, s1  }
0x6b: {  	s1 =	sshrl.u32 s1, $0x3  }
0x6c: {  	s31 =	sadd.s32 s2, s1  }
0x6d: {  	[tilespmem:s15], [sflag:$0x3] =	stream.strided.gather [hbm4b:s31+s13], $0x400, s14, s13, $0x38;
	[tilespmem:$0x1F050] =	vst v63  }
0x6e: {  	_ =	swait.ge [sflag:s16], $0x400  }
0x6f: {  	[sflag:s16] =	ssyncset.done $0x0  }
0x70: {  	s25 =	sadd.s32 $0x100, s25;
	[sflag:s16] =	ssyncadd.s32 $0xFFFFFC00  }
0x71: {  	[tilespmem:s17], [sflag:$0x2] =	stream.indirect.gather [spmem:s5], $0x1, s15, s14, $0xb8;
	[tilespmem:$0x1F050] =	vst v63  }
0x72: {  	p2 =	sne.s32 s25, $0x1000;
	_ =	swait.ge [sflag:s18], $0x400  }
.Ltmp0:
0x73: {  	[sflag:s18] =	ssyncset.done $0x0;
	(pc) =	sbr.rel @p2 .LBB2_2-.Ltmp0, $4  }
0x74: {  	s1 =	sadd.s32 s3, s1;
	[sflag:s18] =	ssyncadd.s32 $0xFFFFFC00  }
0x75: {  	[hbm4b:s1+s13] =	stream.strided.scatter [tilespmem:s17], [sflag:$0x3], $0x400, s14, s13, $0x38;
	[tilespmem:$0x1F050] =	vst v63  }
0x76: {  	_ =	swait.ge [sflag:s16], $0x400  }
0x77: {  	s26 =	sadd.s32 $0x2, s26;
	[sflag:s16] =	ssyncset.done $0x0  }
0x78: {  	s19 =	sadd.s32 $0x1, s19;
	s1 =	rddreg [dreg:$0xa]  }
0x79: {  	p2 =	sne.s32 s19, s1  }
.Ltmp1:
0x7a: {  	_ = 	snop;
	(pc) =	sbr.rel @p2 .LBB2_1-.Ltmp1, $3  }
0x7b: {  	_ = 	snop  }
0x7c: {  	[sflag:s16] =	ssyncadd.s32 $0xFFFFFC00  }
0x7d: {  	[bflag:$0x0] =	sbarrier.arrive $0xFFFF;
	_ =	sdelay $0x1  }
0x7e: {  	_ =	sfence.sel $0x180000  }
0x7f: {  	[bflag:$0x0] =	sbarrier.arrive $0xFFFF  }
0x80: {  	_ =	strace $0x90000047  }
0x81: {  	[bflag:$0x2] =	sbarrier.arrive $0xFFFF  }
0x82: {  	s0 =	rddreg [dreg:$0x5]  }
0x83: {  	s0 =	sadd.s32 @!p0 $0x100000, s0  }
0x84: {  	[sflag:s0] =	ssyncadd.tile.s32 @!p0 $0x1;
	_ =	shalt  }
.Lfunc_end2:
_tile_overlayer_lowered:
.L_overlay_start_2:
0x85: {  	(tag) =	ssettag $0x2  }
0x86: {  	s0 =	rddreg [dreg:$0x0];
	s2 =	stileid.u32  }
0x87: {  	s1 =	rddreg [dreg:$0x1];
	p0 =	sne.s32 s2, $0x0  }
0x88: {  	s3 =	rddreg [dreg:$0x2];
	[bflag:$0x3] =	sbarrier.arrive $0xFFFF;
	s2 =	simm.s32 @!p0 $0x1C03  }
0x89: {  	[timem:s3], [sflag:s2] =	dma.local @!p0 [hbm:s0], s1  }
0x8a: {  	s0 =	simm.s32 @!p0 $0x3  }
0x8b: {  	_ =	swait.ge @!p0 [sflag:s0], s1  }
0x8c: {  	s1 =	ssub.s32 @!p0 $0x0, s1;
	[sflag:s0] =	ssyncset.done @!p0 $0x0  }
0x8d: {  	[sflag:s0] =	ssyncadd.s32 @!p0 s1  }
0x8e: {  	[bflag:$0x3] =	sbarrier.arrive $0xFFFF  }
0x8f: {  	_ =	shalt  }

</sc_bundles>
